<compile_context>
chip_gen: v7x
topology: tpu7x:2x2x1
jax: 0.10.2.dev20260603
libtpu: 0.0.44.dev20260713+nightly
codegen_flags: <defaults>
</compile_context>

<pallas_src>
import functools

import jax
import jax.numpy as jnp
from jax import lax
from jax.experimental import pallas as pl
from jax.experimental.pallas import tpu as pltpu
from jax.experimental.pallas import tpu_sc as plsc

_K = 8192
_D = 32
_N = 16384
_TB = 256
_COMMIT = 0.25
_NW = 32
_RPW = _N // _NW


def _vq_body(x_ref, wb_ref, x2_ref, w2_ref, idx_ref, q_ref, loss_ref,
             perp_ref, counts_ref, loss_acc_ref):
    i = pl.program_id(0)
    nsteps = pl.num_programs(0)

    x = x_ref[...]
    wb = wb_ref[...]

    ab = lax.dot_general(x.astype(jnp.bfloat16), wb, (((1,), (1,)), ((), ())),
                         preferred_element_type=jnp.float32)
    dist = x2_ref[...] + w2_ref[...] - 2.0 * ab

    half = _K // 2
    d0 = dist[:, :half]
    d1 = dist[:, half:]
    m0 = jnp.min(d0, axis=1)
    i0 = jnp.argmin(d0, axis=1)
    m1 = jnp.min(d1, axis=1)
    i1 = jnp.argmin(d1, axis=1) + half
    m0r = m0.astype(jnp.bfloat16).astype(jnp.float32)
    idx = jnp.where(m1 < m0r, i1, i0)
    idx_ref[...] = idx[:, None]
    cols = lax.broadcasted_iota(jnp.int32, (_TB, _K), 1)
    enc = jnp.where(cols == idx[:, None], 1.0, 0.0).astype(jnp.float32)

    enc_b = enc.astype(jnp.bfloat16)
    q = lax.dot_general(enc_b, wb, (((1,), (0,)), ((), ())),
                        preferred_element_type=jnp.float32)
    q_ref[...] = x + (q - x)

    @pl.when(i == 0)
    def _init():
        counts_ref[...] = jnp.zeros_like(counts_ref)
        loss_acc_ref[0] = 0.0

    ones_row = jnp.ones((1, _TB), jnp.bfloat16)
    counts_ref[...] += lax.dot_general(ones_row, enc_b, (((1,), (0,)), ((), ())),
                                       preferred_element_type=jnp.float32)
    loss_acc_ref[0] += jnp.sum((q - x) ** 2)

    @pl.when(i == nsteps - 1)
    def _finish():
        loss_ref[0] = _COMMIT * loss_acc_ref[0] / (_N * _D)
        p = counts_ref[...] / _N
        perp_ref[0] = jnp.exp(-jnp.sum(p * jnp.log(p + 1e-10)))


def _sc_onehot_body(idx_hbm, out_hbm, idx_v, buf_v):
    wid = lax.axis_index("s") * 2 + lax.axis_index("c")
    base = wid * _RPW
    pltpu.sync_copy(idx_hbm.at[pl.ds(base, _RPW)], idx_v)

    lane = lax.iota(jnp.int32, 16)
    ones16 = jnp.ones((16,), jnp.float32)
    zeros16 = jnp.zeros((16,), jnp.float32)

    def zrow(r):
        def zcol(j, c):
            buf_v[r, pl.ds(j * 16, 16)] = zeros16
            return c
        lax.fori_loop(0, _K // 16, zcol, 0)
    for r in range(8):
        zrow(r)

    lo_mask = lane < 8
    hi_mask = jnp.logical_not(lo_mask)
    lane_hi = lane - 8

    def body(g, c):
        colv = idx_v[pl.ds(g * 16, 16)]
        row0 = base + g * 16
        plsc.store_scatter(buf_v, [lane, colv], ones16, mask=lo_mask)
        pltpu.sync_copy(buf_v, out_hbm.at[pl.ds(row0, 8)])
        plsc.store_scatter(buf_v, [lane, colv], zeros16, mask=lo_mask)
        plsc.store_scatter(buf_v, [lane_hi, colv], ones16, mask=hi_mask)
        pltpu.sync_copy(buf_v, out_hbm.at[pl.ds(row0 + 8, 8)])
        plsc.store_scatter(buf_v, [lane_hi, colv], zeros16, mask=hi_mask)
        return c

    lax.fori_loop(0, _RPW // 16, body, 0)


@functools.partial(jax.jit, static_argnames=())
def _vq_fused(flat_x, w):
    grid = (_N // _TB,)
    pl_out = pl.pallas_call(
        _vq_body,
        grid=grid,
        in_specs=[
            pl.BlockSpec((_TB, _D), lambda i: (i, 0)),
            pl.BlockSpec((_K, _D), lambda i: (0, 0)),
            pl.BlockSpec((_TB, 1), lambda i: (i, 0)),
            pl.BlockSpec((1, _K), lambda i: (0, 0)),
        ],
        out_specs=[
            pl.BlockSpec((_TB, 1), lambda i: (i, 0)),
            pl.BlockSpec((_TB, _D), lambda i: (i, 0)),
            pl.BlockSpec(memory_space=pltpu.SMEM),
            pl.BlockSpec(memory_space=pltpu.SMEM),
        ],
        out_shape=[
            jax.ShapeDtypeStruct((_N, 1), jnp.int32),
            jax.ShapeDtypeStruct((_N, _D), jnp.float32),
            jax.ShapeDtypeStruct((1,), jnp.float32),
            jax.ShapeDtypeStruct((1,), jnp.float32),
        ],
        scratch_shapes=[
            pltpu.VMEM((1, _K), jnp.float32),
            pltpu.SMEM((1,), jnp.float32),
        ],
    )
    idx, q, loss, perp = pl_out(
        flat_x, w.astype(jnp.bfloat16),
        jnp.sum(flat_x ** 2, axis=1, keepdims=True),
        jnp.sum(w ** 2, axis=1)[None, :])

    sc_onehot = pl.kernel(
        _sc_onehot_body,
        out_type=jax.ShapeDtypeStruct((_N, _K), jnp.float32),
        mesh=plsc.VectorSubcoreMesh(core_axis_name="c", subcore_axis_name="s"),
        compiler_params=pltpu.CompilerParams(needs_layout_passes=False),
        scratch_types=[
            pltpu.VMEM((_RPW,), jnp.int32),
            pltpu.VMEM((8, _K), jnp.float32),
        ],
    )
    enc = sc_onehot(idx.reshape(_N))
    return enc, q, loss, perp


def kernel(inputs, embedding_weight):
    input_shape = inputs.shape
    flat_x = inputs.reshape(-1, _D)
    enc, q, loss, perp = _vq_fused(flat_x, embedding_weight)
    return (loss.reshape(()), q.reshape(input_shape), perp.reshape(()), enc)

# --- scband reference (transcript-rebuilt; emitter-appended) ---
"""Pipeline reference for scband-vector-quantizer-ema-61770219651731 (READ-ONLY COPY).

The authoritative reference and input builder live on the scoring server;
editing this copy changes nothing except your own understanding.
"""

import jax, jax.numpy as jnp
import numpy as np

NUM_EMBEDDINGS = 8192
EMBEDDING_DIM = 32
COMMITMENT_COST = 0.25


def setup_inputs(seed: int = 0) -> dict:
    key = jax.random.key(seed)
    k1, k2 = jax.random.split(key)
    inputs = jax.random.normal(k1, (16, 1024, EMBEDDING_DIM), dtype=jnp.float32)
    embedding_weight = jax.random.normal(k2, (NUM_EMBEDDINGS, EMBEDDING_DIM), dtype=jnp.float32)
    return {"inputs": inputs, "embedding_weight": embedding_weight}


def reference(inputs, embedding_weight):
    # Eval-mode forward of VectorQuantizerEMA (no EMA buffer updates).
    input_shape = inputs.shape
    flat_input = inputs.reshape(-1, EMBEDDING_DIM)
    # Squared L2 distances to every codebook entry
    distances = (
        jnp.sum(flat_input ** 2, axis=1, keepdims=True)
        + jnp.sum(embedding_weight ** 2, axis=1)
        - 2.0 * jnp.matmul(flat_input, embedding_weight.T)
    )
    encoding_indices = jnp.argmin(distances, axis=1)
    # one-hot encodings, same as scatter_(1, idx, 1)
    n_tok = flat_input.shape[0]
    encodings = jnp.zeros((n_tok, NUM_EMBEDDINGS), dtype=jnp.float32)
    encodings = encodings.at[jnp.arange(n_tok), encoding_indices].set(1.0)
    quantized = jnp.matmul(encodings, embedding_weight).reshape(input_shape)
    # commitment loss
    e_latent_loss = jnp.mean((jax.lax.stop_gradient(quantized) - inputs) ** 2)
    loss = COMMITMENT_COST * e_latent_loss
    # straight-through estimator
    quantized_st = inputs + jax.lax.stop_gradient(quantized - inputs)
    avg_probs = jnp.mean(encodings, axis=0)
    perplexity = jnp.exp(-jnp.sum(avg_probs * jnp.log(avg_probs + 1e-10)))
    return (loss, quantized_st, perplexity, encodings)

if __name__ == "__main__":
    import jax
    _d = setup_inputs()
    print(jax.jit(kernel)(*tuple(_d.values())))

</pallas_src>

<mosaic_0001>
#map = affine_map<(d0, d1) -> (0)>
#map1 = affine_map<(d0, d1) -> (0, 0)>
module attributes {stable_mosaic.version = 14 : i64} {
  func.func @_sc_onehot_body(%arg0: i32, %arg1: i32, %arg2: memref<16384xi32, #tpu.memory_space<hbm>>, %arg3: memref<16384x8192xf32, #tpu.memory_space<hbm>>, %arg4: memref<512xi32, #tpu.memory_space<vmem>>, %arg5: memref<8x8192xf32, #tpu.memory_space<vmem>>) attributes {dimension_semantics = [#tpu.dimension_semantics<core_parallel>, #tpu.dimension_semantics<subcore_parallel>], iteration_bounds = array<i64: 2, 16>, scalar_prefetch = 0 : i64, scratch_operands = 2 : i64, tpu.core_type = #tpu.core_type<sc_vector_subcore>, window_params = [{transform_indices = #map}, {transform_indices = #map1}]} {
    %mul3A = arith.constant 2 : i32
    %mul3A_0 = arith.muli %arg1, %mul3A : i32
    %add3A = arith.addi %mul3A_0, %arg0 : i32
    %mul3A_1 = arith.constant 512 : i32
    %mul3A_2 = arith.muli %add3A, %mul3A_1 : i32
    "tpu.region"() ({
      %run_scoped3A = tpu.sem_alloc : memref<!tpu.dma_semaphore, #tpu.memory_space<semaphore_mem>>
      %dma_start3A = tpu.memref_slice %arg2[%mul3A_2] : memref<16384xi32, #tpu.memory_space<hbm>> -> memref<512xi32, #tpu.memory_space<hbm>>
      %dma_start3A_64 = tpu.memref_slice %arg2[%mul3A_2] : memref<16384xi32, #tpu.memory_space<hbm>> -> memref<512xi32, #tpu.memory_space<hbm>>
      tpu.enqueue_dma source(%dma_start3A_64 : memref<512xi32, #tpu.memory_space<hbm>>) target(%arg4 : memref<512xi32, #tpu.memory_space<vmem>>) target_semaphore(%run_scoped3A : memref<!tpu.dma_semaphore, #tpu.memory_space<semaphore_mem>>)
      %dma_wait3A = tpu.memref_slice %arg2[%mul3A_2] : memref<16384xi32, #tpu.memory_space<hbm>> -> memref<512xi32, #tpu.memory_space<hbm>>
      %dma_wait3A_65 = tpu.memref_slice %arg2[%mul3A_2] : memref<16384xi32, #tpu.memory_space<hbm>> -> memref<512xi32, #tpu.memory_space<hbm>>
      tpu.wait_dma2 semaphore(%run_scoped3A : memref<!tpu.dma_semaphore, #tpu.memory_space<semaphore_mem>>) src(%dma_wait3A_65 : memref<512xi32, #tpu.memory_space<hbm>>) dst(%arg4 : memref<512xi32, #tpu.memory_space<vmem>>)
      tpu.yield
    }) : () -> ()
    %iota3A = tpu.iota {dimensions = array<i32: 0>} : vector<16xi32>
    %broadcast_in_dim3A = arith.constant 1.000000e+00 : f32
    %broadcast_in_dim3A_3 = vector.broadcast %broadcast_in_dim3A : f32 to vector<16xf32>
    %broadcast_in_dim3A_4 = arith.constant 0.000000e+00 : f32
    %broadcast_in_dim3A_5 = vector.broadcast %broadcast_in_dim3A_4 : f32 to vector<16xf32>
    %scan3A = arith.constant 0 : i32
    %scan3A_6 = arith.constant 0 : i32
    %scan3A_7 = arith.constant 512 : i32
    %scan3A_8 = arith.addi %scan3A_6, %scan3A_7 : i32
    %scan3A_9 = arith.constant 1 : i32
    scf.for %scan3A_64 = %scan3A_6 to %scan3A_8 step %scan3A_9  : i32 {
      %mul3A_65 = arith.constant 16 : i32
      %mul3A_66 = arith.muli %scan3A_64, %mul3A_65 : i32
      %swap3A = arith.constant 0 : i32
      %swap3A_67 = arith.index_cast %swap3A : i32 to index
      %swap3A_68 = arith.index_cast %mul3A_66 : i32 to index
      %swap3A_69 = tpu.vector_load %arg5[%swap3A_67, %swap3A_68] {strides = array<i32>} : memref<8x8192xf32, #tpu.memory_space<vmem>>, vector<16xf32>,
      tpu.vector_store %arg5[%swap3A_67, %swap3A_68], %broadcast_in_dim3A_5 {strides = array<i32>} : memref<8x8192xf32, #tpu.memory_space<vmem>>, vector<16xf32>,
    }
    %scan3A_10 = arith.constant 512 : i32
    %scan3A_11 = arith.constant 0 : i32
    %scan3A_12 = arith.constant 0 : i32
    %scan3A_13 = arith.constant 512 : i32
    %scan3A_14 = arith.addi %scan3A_12, %scan3A_13 : i32
    %scan3A_15 = arith.constant 1 : i32
    scf.for %scan3A_64 = %scan3A_12 to %scan3A_14 step %scan3A_15  : i32 {
      %mul3A_65 = arith.constant 16 : i32
      %mul3A_66 = arith.muli %scan3A_64, %mul3A_65 : i32
      %swap3A = arith.constant 1 : i32
      %swap3A_67 = arith.index_cast %swap3A : i32 to index
      %swap3A_68 = arith.index_cast %mul3A_66 : i32 to index
      %swap3A_69 = tpu.vector_load %arg5[%swap3A_67, %swap3A_68] {strides = array<i32>} : memref<8x8192xf32, #tpu.memory_space<vmem>>, vector<16xf32>,
      tpu.vector_store %arg5[%swap3A_67, %swap3A_68], %broadcast_in_dim3A_5 {strides = array<i32>} : memref<8x8192xf32, #tpu.memory_space<vmem>>, vector<16xf32>,
    }
    %scan3A_16 = arith.constant 512 : i32
    %scan3A_17 = arith.constant 0 : i32
    %scan3A_18 = arith.constant 0 : i32
    %scan3A_19 = arith.constant 512 : i32
    %scan3A_20 = arith.addi %scan3A_18, %scan3A_19 : i32
    %scan3A_21 = arith.constant 1 : i32
    scf.for %scan3A_64 = %scan3A_18 to %scan3A_20 step %scan3A_21  : i32 {
      %mul3A_65 = arith.constant 16 : i32
      %mul3A_66 = arith.muli %scan3A_64, %mul3A_65 : i32
      %swap3A = arith.constant 2 : i32
      %swap3A_67 = arith.index_cast %swap3A : i32 to index
      %swap3A_68 = arith.index_cast %mul3A_66 : i32 to index
      %swap3A_69 = tpu.vector_load %arg5[%swap3A_67, %swap3A_68] {strides = array<i32>} : memref<8x8192xf32, #tpu.memory_space<vmem>>, vector<16xf32>,
      tpu.vector_store %arg5[%swap3A_67, %swap3A_68], %broadcast_in_dim3A_5 {strides = array<i32>} : memref<8x8192xf32, #tpu.memory_space<vmem>>, vector<16xf32>,
    }
    %scan3A_22 = arith.constant 512 : i32
    %scan3A_23 = arith.constant 0 : i32
    %scan3A_24 = arith.constant 0 : i32
    %scan3A_25 = arith.constant 512 : i32
    %scan3A_26 = arith.addi %scan3A_24, %scan3A_25 : i32
    %scan3A_27 = arith.constant 1 : i32
    scf.for %scan3A_64 = %scan3A_24 to %scan3A_26 step %scan3A_27  : i32 {
      %mul3A_65 = arith.constant 16 : i32
      %mul3A_66 = arith.muli %scan3A_64, %mul3A_65 : i32
      %swap3A = arith.constant 3 : i32
      %swap3A_67 = arith.index_cast %swap3A : i32 to index
      %swap3A_68 = arith.index_cast %mul3A_66 : i32 to index
      %swap3A_69 = tpu.vector_load %arg5[%swap3A_67, %swap3A_68] {strides = array<i32>} : memref<8x8192xf32, #tpu.memory_space<vmem>>, vector<16xf32>,
      tpu.vector_store %arg5[%swap3A_67, %swap3A_68], %broadcast_in_dim3A_5 {strides = array<i32>} : memref<8x8192xf32, #tpu.memory_space<vmem>>, vector<16xf32>,
    }
    %scan3A_28 = arith.constant 512 : i32
    %scan3A_29 = arith.constant 0 : i32
    %scan3A_30 = arith.constant 0 : i32
    %scan3A_31 = arith.constant 512 : i32
    %scan3A_32 = arith.addi %scan3A_30, %scan3A_31 : i32
    %scan3A_33 = arith.constant 1 : i32
    scf.for %scan3A_64 = %scan3A_30 to %scan3A_32 step %scan3A_33  : i32 {
      %mul3A_65 = arith.constant 16 : i32
      %mul3A_66 = arith.muli %scan3A_64, %mul3A_65 : i32
      %swap3A = arith.constant 4 : i32
      %swap3A_67 = arith.index_cast %swap3A : i32 to index
      %swap3A_68 = arith.index_cast %mul3A_66 : i32 to index
      %swap3A_69 = tpu.vector_load %arg5[%swap3A_67, %swap3A_68] {strides = array<i32>} : memref<8x8192xf32, #tpu.memory_space<vmem>>, vector<16xf32>,
      tpu.vector_store %arg5[%swap3A_67, %swap3A_68], %broadcast_in_dim3A_5 {strides = array<i32>} : memref<8x8192xf32, #tpu.memory_space<vmem>>, vector<16xf32>,
    }
    %scan3A_34 = arith.constant 512 : i32
    %scan3A_35 = arith.constant 0 : i32
    %scan3A_36 = arith.constant 0 : i32
    %scan3A_37 = arith.constant 512 : i32
    %scan3A_38 = arith.addi %scan3A_36, %scan3A_37 : i32
    %scan3A_39 = arith.constant 1 : i32
    scf.for %scan3A_64 = %scan3A_36 to %scan3A_38 step %scan3A_39  : i32 {
      %mul3A_65 = arith.constant 16 : i32
      %mul3A_66 = arith.muli %scan3A_64, %mul3A_65 : i32
      %swap3A = arith.constant 5 : i32
      %swap3A_67 = arith.index_cast %swap3A : i32 to index
      %swap3A_68 = arith.index_cast %mul3A_66 : i32 to index
      %swap3A_69 = tpu.vector_load %arg5[%swap3A_67, %swap3A_68] {strides = array<i32>} : memref<8x8192xf32, #tpu.memory_space<vmem>>, vector<16xf32>,
      tpu.vector_store %arg5[%swap3A_67, %swap3A_68], %broadcast_in_dim3A_5 {strides = array<i32>} : memref<8x8192xf32, #tpu.memory_space<vmem>>, vector<16xf32>,
    }
    %scan3A_40 = arith.constant 512 : i32
    %scan3A_41 = arith.constant 0 : i32
    %scan3A_42 = arith.constant 0 : i32
    %scan3A_43 = arith.constant 512 : i32
    %scan3A_44 = arith.addi %scan3A_42, %scan3A_43 : i32
    %scan3A_45 = arith.constant 1 : i32
    scf.for %scan3A_64 = %scan3A_42 to %scan3A_44 step %scan3A_45  : i32 {
      %mul3A_65 = arith.constant 16 : i32
      %mul3A_66 = arith.muli %scan3A_64, %mul3A_65 : i32
      %swap3A = arith.constant 6 : i32
      %swap3A_67 = arith.index_cast %swap3A : i32 to index
      %swap3A_68 = arith.index_cast %mul3A_66 : i32 to index
      %swap3A_69 = tpu.vector_load %arg5[%swap3A_67, %swap3A_68] {strides = array<i32>} : memref<8x8192xf32, #tpu.memory_space<vmem>>, vector<16xf32>,
      tpu.vector_store %arg5[%swap3A_67, %swap3A_68], %broadcast_in_dim3A_5 {strides = array<i32>} : memref<8x8192xf32, #tpu.memory_space<vmem>>, vector<16xf32>,
    }
    %scan3A_46 = arith.constant 512 : i32
    %scan3A_47 = arith.constant 0 : i32
    %scan3A_48 = arith.constant 0 : i32
    %scan3A_49 = arith.constant 512 : i32
    %scan3A_50 = arith.addi %scan3A_48, %scan3A_49 : i32
    %scan3A_51 = arith.constant 1 : i32
    scf.for %scan3A_64 = %scan3A_48 to %scan3A_50 step %scan3A_51  : i32 {
      %mul3A_65 = arith.constant 16 : i32
      %mul3A_66 = arith.muli %scan3A_64, %mul3A_65 : i32
      %swap3A = arith.constant 7 : i32
      %swap3A_67 = arith.index_cast %swap3A : i32 to index
      %swap3A_68 = arith.index_cast %mul3A_66 : i32 to index
      %swap3A_69 = tpu.vector_load %arg5[%swap3A_67, %swap3A_68] {strides = array<i32>} : memref<8x8192xf32, #tpu.memory_space<vmem>>, vector<16xf32>,
      tpu.vector_store %arg5[%swap3A_67, %swap3A_68], %broadcast_in_dim3A_5 {strides = array<i32>} : memref<8x8192xf32, #tpu.memory_space<vmem>>, vector<16xf32>,
    }
    %scan3A_52 = arith.constant 512 : i32
    %lt3A = arith.constant 8 : i32
    %lt3A_53 = vector.broadcast %lt3A : i32 to vector<16xi32>
    %lt3A_54 = arith.cmpi slt, %iota3A, %lt3A_53 : vector<16xi32>
    %not3A = arith.constant dense<true> : vector<16xi1>
    %not3A_55 = arith.xori %lt3A_54, %not3A : vector<16xi1>
    %sub3A = arith.constant 8 : i32
    %sub3A_56 = vector.broadcast %sub3A : i32 to vector<16xi32>
    %sub3A_57 = arith.subi %iota3A, %sub3A_56 : vector<16xi32>
    %scan3A_58 = arith.constant 0 : i32
    %scan3A_59 = arith.constant 0 : i32
    %scan3A_60 = arith.constant 32 : i32
    %scan3A_61 = arith.addi %scan3A_59, %scan3A_60 : i32
    %scan3A_62 = arith.constant 1 : i32
    scf.for %scan3A_64 = %scan3A_59 to %scan3A_61 step %scan3A_62  : i32 {
      %mul3A_65 = arith.constant 16 : i32
      %mul3A_66 = arith.muli %scan3A_64, %mul3A_65 : i32
      %get3A = arith.index_cast %mul3A_66 : i32 to index
      %get3A_67 = tpu.vector_load %arg4[%get3A] {strides = array<i32>} : memref<512xi32, #tpu.memory_space<vmem>>, vector<16xi32>,
      %mul3A_68 = arith.constant 16 : i32
      %mul3A_69 = arith.muli %scan3A_64, %mul3A_68 : i32
      %add3A_70 = arith.addi %mul3A_2, %mul3A_69 : i32
      tpu.vector_store_idx %arg5[%iota3A, %get3A_67], %broadcast_in_dim3A_3 masked %lt3A_54 : memref<8x8192xf32, #tpu.memory_space<vmem>>[vector<16xi32>, vector<16xi32>], vector<16xf32>, vector<16xi1>
      "tpu.region"() ({
        %run_scoped3A = tpu.sem_alloc : memref<!tpu.dma_semaphore, #tpu.memory_space<semaphore_mem>>
        %dma_start3A = arith.constant 0 : i32
        %dma_start3A_73 = tpu.memref_slice %arg3[%add3A_70, %dma_start3A] : memref<16384x8192xf32, #tpu.memory_space<hbm>> -> memref<8x8192xf32, #tpu.memory_space<hbm>>
        %dma_start3A_74 = arith.constant 0 : i32
        %dma_start3A_75 = tpu.memref_slice %arg3[%add3A_70, %dma_start3A_74] : memref<16384x8192xf32, #tpu.memory_space<hbm>> -> memref<8x8192xf32, #tpu.memory_space<hbm>>
        tpu.enqueue_dma source(%arg5 : memref<8x8192xf32, #tpu.memory_space<vmem>>) target(%dma_start3A_75 : memref<8x8192xf32, #tpu.memory_space<hbm>>) target_semaphore(%run_scoped3A : memref<!tpu.dma_semaphore, #tpu.memory_space<semaphore_mem>>)
        %dma_wait3A = arith.constant 0 : i32
        %dma_wait3A_76 = tpu.memref_slice %arg3[%add3A_70, %dma_wait3A] : memref<16384x8192xf32, #tpu.memory_space<hbm>> -> memref<8x8192xf32, #tpu.memory_space<hbm>>
        %dma_wait3A_77 = arith.constant 0 : i32
        %dma_wait3A_78 = tpu.memref_slice %arg3[%add3A_70, %dma_wait3A_77] : memref<16384x8192xf32, #tpu.memory_space<hbm>> -> memref<8x8192xf32, #tpu.memory_space<hbm>>
        tpu.wait_dma2 semaphore(%run_scoped3A : memref<!tpu.dma_semaphore, #tpu.memory_space<semaphore_mem>>) src(%arg5 : memref<8x8192xf32, #tpu.memory_space<vmem>>) dst(%dma_wait3A_78 : memref<8x8192xf32, #tpu.memory_space<hbm>>)
        tpu.yield
      }) : () -> ()
      tpu.vector_store_idx %arg5[%iota3A, %get3A_67], %broadcast_in_dim3A_5 masked %lt3A_54 : memref<8x8192xf32, #tpu.memory_space<vmem>>[vector<16xi32>, vector<16xi32>], vector<16xf32>, vector<16xi1>
      tpu.vector_store_idx %arg5[%sub3A_57, %get3A_67], %broadcast_in_dim3A_3 masked %not3A_55 : memref<8x8192xf32, #tpu.memory_space<vmem>>[vector<16xi32>, vector<16xi32>], vector<16xf32>, vector<16xi1>
      %add3A_71 = arith.constant 8 : i32
      %add3A_72 = arith.addi %add3A_70, %add3A_71 : i32
      "tpu.region"() ({
        %run_scoped3A = tpu.sem_alloc : memref<!tpu.dma_semaphore, #tpu.memory_space<semaphore_mem>>
        %dma_start3A = arith.constant 0 : i32
        %dma_start3A_73 = tpu.memref_slice %arg3[%add3A_72, %dma_start3A] : memref<16384x8192xf32, #tpu.memory_space<hbm>> -> memref<8x8192xf32, #tpu.memory_space<hbm>>
        %dma_start3A_74 = arith.constant 0 : i32
        %dma_start3A_75 = tpu.memref_slice %arg3[%add3A_72, %dma_start3A_74] : memref<16384x8192xf32, #tpu.memory_space<hbm>> -> memref<8x8192xf32, #tpu.memory_space<hbm>>
        tpu.enqueue_dma source(%arg5 : memref<8x8192xf32, #tpu.memory_space<vmem>>) target(%dma_start3A_75 : memref<8x8192xf32, #tpu.memory_space<hbm>>) target_semaphore(%run_scoped3A : memref<!tpu.dma_semaphore, #tpu.memory_space<semaphore_mem>>)
        %dma_wait3A = arith.constant 0 : i32
        %dma_wait3A_76 = tpu.memref_slice %arg3[%add3A_72, %dma_wait3A] : memref<16384x8192xf32, #tpu.memory_space<hbm>> -> memref<8x8192xf32, #tpu.memory_space<hbm>>
        %dma_wait3A_77 = arith.constant 0 : i32
        %dma_wait3A_78 = tpu.memref_slice %arg3[%add3A_72, %dma_wait3A_77] : memref<16384x8192xf32, #tpu.memory_space<hbm>> -> memref<8x8192xf32, #tpu.memory_space<hbm>>
        tpu.wait_dma2 semaphore(%run_scoped3A : memref<!tpu.dma_semaphore, #tpu.memory_space<semaphore_mem>>) src(%arg5 : memref<8x8192xf32, #tpu.memory_space<vmem>>) dst(%dma_wait3A_78 : memref<8x8192xf32, #tpu.memory_space<hbm>>)
        tpu.yield
      }) : () -> ()
      tpu.vector_store_idx %arg5[%sub3A_57, %get3A_67], %broadcast_in_dim3A_5 masked %not3A_55 : memref<8x8192xf32, #tpu.memory_space<vmem>>[vector<16xi32>, vector<16xi32>], vector<16xf32>, vector<16xi1>
    }
    %scan3A_63 = arith.constant 32 : i32
    return
  }
}

module attributes {stable_mosaic.version = 14 : i64} {
  func.func @_vq_body(%arg0: i32, %arg1: memref<256x32xf32, #tpu.memory_space<vmem>>, %arg2: memref<8192x32xbf16, #tpu.memory_space<vmem>>, %arg3: memref<256x1xf32, #tpu.memory_space<vmem>>, %arg4: memref<1x8192xf32, #tpu.memory_space<vmem>>, %arg5: memref<256x1xi32, #tpu.memory_space<vmem>>, %arg6: memref<256x32xf32, #tpu.memory_space<vmem>>, %arg7: memref<1xf32, #tpu.memory_space<smem>>, %arg8: memref<1xf32, #tpu.memory_space<smem>>, %arg9: memref<1x8192xf32, #tpu.memory_space<vmem>>, %arg10: memref<1xf32, #tpu.memory_space<smem>>) attributes {dimension_semantics = [#tpu.dimension_semantics<arbitrary>], iteration_bounds = array<i64: 64>, scalar_prefetch = 0 : i64, scratch_operands = 2 : i64, tpu.core_type = #tpu.core_type<tc>, window_params = [{transform_indices = @transform_0, window_bounds = array<i64: 256, 32>}, {pipeline_mode = #tpu.pipeline_mode<synchronous>, transform_indices = @transform_1, window_bounds = array<i64: 8192, 32>}, {transform_indices = @transform_2, window_bounds = array<i64: 256, 1>}, {pipeline_mode = #tpu.pipeline_mode<synchronous>, transform_indices = @transform_3, window_bounds = array<i64: 1, 8192>}, {transform_indices = @transform_4, window_bounds = array<i64: 256, 1>}, {transform_indices = @transform_5, window_bounds = array<i64: 256, 32>}, {transform_indices = @transform_6, window_bounds = array<i64: 1>}, {transform_indices = @transform_7, window_bounds = array<i64: 1>}]} {
    %get3A = arith.constant 0 : index
    %get3A_0 = arith.constant 0 : index
    %get3A_1 = vector.load %arg1[%get3A, %get3A_0] : memref<256x32xf32, #tpu.memory_space<vmem>>, vector<256x32xf32>
    %get3A_2 = arith.constant 0 : index
    %get3A_3 = arith.constant 0 : index
    %get3A_4 = vector.load %arg2[%get3A_2, %get3A_3] : memref<8192x32xbf16, #tpu.memory_space<vmem>>, vector<8192x32xbf16>
    %convert_element_type3A = arith.truncf %get3A_1 : vector<256x32xf32> to vector<256x32xbf16>
    %dot_general3A = arith.constant dense<0.000000e+00> : vector<256x8192xf32>
    %dot_general3A_5 = tpu.matmul %convert_element_type3A, %get3A_4, %dot_general3A {dimension_numbers = #tpu.dot_dimension_numbers<[1], [1], [0], [0], [0, 0, 1, 0], [], []>, transpose_lhs_hint = false} : vector<256x32xbf16>, vector<8192x32xbf16>, vector<256x8192xf32> -> vector<256x8192xf32>
    %get3A_6 = arith.constant 0 : index
    %get3A_7 = arith.constant 0 : index
    %get3A_8 = vector.load %arg3[%get3A_6, %get3A_7] : memref<256x1xf32, #tpu.memory_space<vmem>>, vector<256x1xf32>
    %get3A_9 = arith.constant 0 : index
    %get3A_10 = arith.constant 0 : index
    %get3A_11 = vector.load %arg4[%get3A_9, %get3A_10] : memref<1x8192xf32, #tpu.memory_space<vmem>>, vector<1x8192xf32>
    %add3A = vector.broadcast %get3A_8 : vector<256x1xf32> to vector<256x8192xf32>
    %add3A_12 = vector.broadcast %get3A_11 : vector<1x8192xf32> to vector<256x8192xf32>
    %add3A_13 = arith.addf %add3A, %add3A_12 : vector<256x8192xf32>
    %mul3A = arith.constant 2.000000e+00 : f32
    %mul3A_14 = vector.broadcast %mul3A : f32 to vector<256x8192xf32>
    %mul3A_15 = arith.mulf %mul3A_14, %dot_general3A_5 : vector<256x8192xf32>
    %sub3A = arith.subf %add3A_13, %mul3A_15 : vector<256x8192xf32>
    %slice3A = vector.extract_strided_slice %sub3A {offsets = [0, 0], sizes = [256, 4096], strides = [1, 1]} : vector<256x8192xf32> to vector<256x4096xf32>
    %slice3A_16 = vector.extract_strided_slice %sub3A {offsets = [0, 4096], sizes = [256, 4096], strides = [1, 1]} : vector<256x8192xf32> to vector<256x4096xf32>
    %reduce_min3A = arith.constant dense<0x7F800000> : vector<256xf32>
    %reduce_min3A_17 = vector.multi_reduction <minimumf>, %slice3A, %reduce_min3A [1] : vector<256x4096xf32> to vector<256xf32>
    %argmin3A = tpu.reduce_index %slice3A {axis = 1 : i32, kind = #tpu.reduction_kind<arg_min>} : vector<256x4096xf32> -> vector<256xi32>
    %reduce_min3A_18 = arith.constant dense<0x7F800000> : vector<256xf32>
    %reduce_min3A_19 = vector.multi_reduction <minimumf>, %slice3A_16, %reduce_min3A_18 [1] : vector<256x4096xf32> to vector<256xf32>
    %argmin3A_20 = tpu.reduce_index %slice3A_16 {axis = 1 : i32, kind = #tpu.reduction_kind<arg_min>} : vector<256x4096xf32> -> vector<256xi32>
    %add3A_21 = arith.constant 4096 : i32
    %add3A_22 = vector.broadcast %add3A_21 : i32 to vector<256xi32>
    %add3A_23 = arith.addi %argmin3A_20, %add3A_22 : vector<256xi32>
    %convert_element_type3A_24 = arith.truncf %reduce_min3A_17 : vector<256xf32> to vector<256xbf16>
    %convert_element_type3A_25 = arith.extf %convert_element_type3A_24 : vector<256xbf16> to vector<256xf32>
    %lt3A = arith.cmpf olt, %reduce_min3A_19, %convert_element_type3A_25 : vector<256xf32>
    %select_n3A = arith.select %lt3A, %add3A_23, %argmin3A : vector<256xi1>, vector<256xi32>
    %broadcast_in_dim3A = vector.shape_cast %select_n3A : vector<256xi32> to vector<256x1xi32>
    %swap3A = arith.constant 0 : index
    %swap3A_26 = arith.constant 0 : index
    %swap3A_27 = vector.load %arg5[%swap3A, %swap3A_26] : memref<256x1xi32, #tpu.memory_space<vmem>>, vector<256x1xi32>
    tpu.vector_store %arg5[%swap3A, %swap3A_26], %broadcast_in_dim3A {strides = array<i32>} : memref<256x1xi32, #tpu.memory_space<vmem>>, vector<256x1xi32>,
    %iota3A = tpu.iota {dimensions = array<i32: 1>} : vector<256x8192xi32>
    %broadcast_in_dim3A_28 = vector.shape_cast %select_n3A : vector<256xi32> to vector<256x1xi32>
    %eq3A = vector.broadcast %broadcast_in_dim3A_28 : vector<256x1xi32> to vector<256x8192xi32>
    %eq3A_29 = arith.cmpi eq, %iota3A, %eq3A : vector<256x8192xi32>
    %jit3A = arith.constant 1.000000e+00 : f32
    %jit3A_30 = arith.constant 0.000000e+00 : f32
    %broadcast_in_dim3A_31 = vector.broadcast %jit3A : f32 to vector<256x8192xf32>
    %broadcast_in_dim3A_32 = vector.broadcast %jit3A_30 : f32 to vector<256x8192xf32>
    %select_n3A_33 = arith.select %eq3A_29, %broadcast_in_dim3A_31, %broadcast_in_dim3A_32 : vector<256x8192xi1>, vector<256x8192xf32>
    %convert_element_type3A_34 = arith.truncf %select_n3A_33 : vector<256x8192xf32> to vector<256x8192xbf16>
    %dot_general3A_35 = arith.constant dense<0.000000e+00> : vector<256x32xf32>
    %dot_general3A_36 = tpu.matmul %convert_element_type3A_34, %get3A_4, %dot_general3A_35 {dimension_numbers = #tpu.dot_dimension_numbers<[1], [0], [0], [1], [0, 0, 1, 1], [], []>, transpose_lhs_hint = false} : vector<256x8192xbf16>, vector<8192x32xbf16>, vector<256x32xf32> -> vector<256x32xf32>
    %sub3A_37 = arith.subf %dot_general3A_36, %get3A_1 : vector<256x32xf32>
    %add3A_38 = arith.addf %get3A_1, %sub3A_37 : vector<256x32xf32>
    %swap3A_39 = arith.constant 0 : index
    %swap3A_40 = arith.constant 0 : index
    %swap3A_41 = vector.load %arg6[%swap3A_39, %swap3A_40] : memref<256x32xf32, #tpu.memory_space<vmem>>, vector<256x32xf32>
    tpu.vector_store %arg6[%swap3A_39, %swap3A_40], %add3A_38 {strides = array<i32>} : memref<256x32xf32, #tpu.memory_space<vmem>>, vector<256x32xf32>,
    %eq3A_42 = arith.constant 0 : i32
    %eq3A_43 = arith.cmpi eq, %arg0, %eq3A_42 : i32
    %convert_element_type3A_44 = arith.extui %eq3A_43 : i1 to i32
    %cond3A = arith.constant 0 : i32
    %cond3A_45 = arith.cmpi ne, %convert_element_type3A_44, %cond3A : i32
    scf.if %cond3A_45 {
      %broadcast_in_dim3A_72 = arith.constant 0.000000e+00 : f32
      %broadcast_in_dim3A_73 = vector.broadcast %broadcast_in_dim3A_72 : f32 to vector<1x8192xf32>
      %swap3A_74 = arith.constant 0 : index
      %swap3A_75 = arith.constant 0 : index
      %swap3A_76 = vector.load %arg9[%swap3A_74, %swap3A_75] : memref<1x8192xf32, #tpu.memory_space<vmem>>, vector<1x8192xf32>
      tpu.vector_store %arg9[%swap3A_74, %swap3A_75], %broadcast_in_dim3A_73 {strides = array<i32>} : memref<1x8192xf32, #tpu.memory_space<vmem>>, vector<1x8192xf32>,
      %swap3A_77 = arith.constant 0.000000e+00 : f32
      %swap3A_78 = arith.constant 0 : index
      %swap3A_79 = memref.load %arg10[%swap3A_78] : memref<1xf32, #tpu.memory_space<smem>>
      memref.store %swap3A_77, %arg10[%swap3A_78] : memref<1xf32, #tpu.memory_space<smem>>
    } else {
    }
    %broadcast_in_dim3A_46 = arith.constant 1.000000e+00 : bf16
    %broadcast_in_dim3A_47 = vector.broadcast %broadcast_in_dim3A_46 : bf16 to vector<1x256xbf16>
    %get3A_48 = arith.constant 0 : index
    %get3A_49 = arith.constant 0 : index
    %get3A_50 = vector.load %arg9[%get3A_48, %get3A_49] : memref<1x8192xf32, #tpu.memory_space<vmem>>, vector<1x8192xf32>
    %dot_general3A_51 = arith.constant dense<0.000000e+00> : vector<1x8192xf32>
    %dot_general3A_52 = tpu.matmul %broadcast_in_dim3A_47, %convert_element_type3A_34, %dot_general3A_51 {dimension_numbers = #tpu.dot_dimension_numbers<[1], [0], [0], [1], [0, 0, 1, 1], [], []>, transpose_lhs_hint = false} : vector<1x256xbf16>, vector<256x8192xbf16>, vector<1x8192xf32> -> vector<1x8192xf32>
    %add3A_53 = arith.addf %get3A_50, %dot_general3A_52 : vector<1x8192xf32>
    %swap3A_54 = arith.constant 0 : index
    %swap3A_55 = arith.constant 0 : index
    %swap3A_56 = vector.load %arg9[%swap3A_54, %swap3A_55] : memref<1x8192xf32, #tpu.memory_space<vmem>>, vector<1x8192xf32>
    tpu.vector_store %arg9[%swap3A_54, %swap3A_55], %add3A_53 {strides = array<i32>} : memref<1x8192xf32, #tpu.memory_space<vmem>>, vector<1x8192xf32>,
    %get3A_57 = arith.constant 0 : index
    %get3A_58 = memref.load %arg10[%get3A_57] : memref<1xf32, #tpu.memory_space<smem>>
    %sub3A_59 = arith.subf %dot_general3A_36, %get3A_1 : vector<256x32xf32>
    %integer_pow3A = arith.mulf %sub3A_59, %sub3A_59 : vector<256x32xf32>
    %reduce_sum3A = vector.shape_cast %integer_pow3A : vector<256x32xf32> to vector<1x256x32xf32>
    %reduce_sum3A_60 = arith.constant dense<0.000000e+00> : vector<1xf32>
    %reduce_sum3A_61 = vector.multi_reduction <add>, %reduce_sum3A, %reduce_sum3A_60 [1, 2] : vector<1x256x32xf32> to vector<1xf32>
    %reduce_sum3A_62 = vector.shape_cast %reduce_sum3A_61 : vector<1xf32> to vector<1x1x1xf32>
    %reduce_sum3A_63 = vector.extract %reduce_sum3A_62[0, 0, 0] : f32 from vector<1x1x1xf32>
    %add3A_64 = arith.addf %get3A_58, %reduce_sum3A_63 : f32
    %swap3A_65 = arith.constant 0 : index
    %swap3A_66 = memref.load %arg10[%swap3A_65] : memref<1xf32, #tpu.memory_space<smem>>
    memref.store %add3A_64, %arg10[%swap3A_65] : memref<1xf32, #tpu.memory_space<smem>>
    %eq3A_67 = arith.constant 63 : i32
    %eq3A_68 = arith.cmpi eq, %arg0, %eq3A_67 : i32
    %convert_element_type3A_69 = arith.extui %eq3A_68 : i1 to i32
    %cond3A_70 = arith.constant 0 : i32
    %cond3A_71 = arith.cmpi ne, %convert_element_type3A_69, %cond3A_70 : i32
    scf.if %cond3A_71 {
      %get3A_72 = arith.constant 0 : index
      %get3A_73 = memref.load %arg10[%get3A_72] : memref<1xf32, #tpu.memory_space<smem>>
      %mul3A_74 = arith.constant 2.500000e-01 : f32
      %mul3A_75 = arith.mulf %mul3A_74, %get3A_73 : f32
      %div3A = arith.constant 5.242880e+05 : f32
      %div3A_76 = arith.divf %mul3A_75, %div3A : f32
      %swap3A_77 = arith.constant 0 : index
      %swap3A_78 = memref.load %arg7[%swap3A_77] : memref<1xf32, #tpu.memory_space<smem>>
      memref.store %div3A_76, %arg7[%swap3A_77] : memref<1xf32, #tpu.memory_space<smem>>
      %get3A_79 = arith.constant 0 : index
      %get3A_80 = arith.constant 0 : index
      %get3A_81 = vector.load %arg9[%get3A_79, %get3A_80] : memref<1x8192xf32, #tpu.memory_space<vmem>>, vector<1x8192xf32>
      %div3A_82 = arith.constant 1.638400e+04 : f32
      %div3A_83 = vector.broadcast %div3A_82 : f32 to vector<1x8192xf32>
      %div3A_84 = arith.divf %get3A_81, %div3A_83 : vector<1x8192xf32>
      %add3A_85 = arith.constant 1.000000e-10 : f32
      %add3A_86 = vector.broadcast %add3A_85 : f32 to vector<1x8192xf32>
      %add3A_87 = arith.addf %div3A_84, %add3A_86 : vector<1x8192xf32>
      %log3A = math.log %add3A_87 : vector<1x8192xf32>
      %mul3A_88 = arith.mulf %div3A_84, %log3A : vector<1x8192xf32>
      %reduce_sum3A_89 = vector.shape_cast %mul3A_88 : vector<1x8192xf32> to vector<1x1x8192xf32>
      %reduce_sum3A_90 = arith.constant dense<0.000000e+00> : vector<1xf32>
      %reduce_sum3A_91 = vector.multi_reduction <add>, %reduce_sum3A_89, %reduce_sum3A_90 [1, 2] : vector<1x1x8192xf32> to vector<1xf32>
      %reduce_sum3A_92 = vector.shape_cast %reduce_sum3A_91 : vector<1xf32> to vector<1x1x1xf32>
      %reduce_sum3A_93 = vector.extract %reduce_sum3A_92[0, 0, 0] : f32 from vector<1x1x1xf32>
      %neg3A = arith.constant 0.000000e+00 : f32
      %neg3A_94 = arith.subf %neg3A, %reduce_sum3A_93 : f32
      %exp3A = math.exp %neg3A_94 : f32
      %swap3A_95 = arith.constant 0 : index
      %swap3A_96 = memref.load %arg8[%swap3A_95] : memref<1xf32, #tpu.memory_space<smem>>
      memref.store %exp3A, %arg8[%swap3A_95] : memref<1xf32, #tpu.memory_space<smem>>
    } else {
    }
    return
  }
  func.func @transform_0(%arg0: i32) -> (i32, i32) {
    %c0_i32 = arith.constant 0 : i32
    %c0_i32_0 = arith.constant 0 : i32
    return %arg0, %c0_i32 : i32, i32
  }
  func.func @transform_1(%arg0: i32) -> (i32, i32) {
    %c0_i32 = arith.constant 0 : i32
    %c0_i32_0 = arith.constant 0 : i32
    %c0_i32_1 = arith.constant 0 : i32
    return %c0_i32, %c0_i32_0 : i32, i32
  }
  func.func @transform_2(%arg0: i32) -> (i32, i32) {
    %c0_i32 = arith.constant 0 : i32
    %c0_i32_0 = arith.constant 0 : i32
    return %arg0, %c0_i32 : i32, i32
  }
  func.func @transform_3(%arg0: i32) -> (i32, i32) {
    %c0_i32 = arith.constant 0 : i32
    %c0_i32_0 = arith.constant 0 : i32
    %c0_i32_1 = arith.constant 0 : i32
    return %c0_i32, %c0_i32_0 : i32, i32
  }
  func.func @transform_4(%arg0: i32) -> (i32, i32) {
    %c0_i32 = arith.constant 0 : i32
    %c0_i32_0 = arith.constant 0 : i32
    return %arg0, %c0_i32 : i32, i32
  }
  func.func @transform_5(%arg0: i32) -> (i32, i32) {
    %c0_i32 = arith.constant 0 : i32
    %c0_i32_0 = arith.constant 0 : i32
    return %arg0, %c0_i32 : i32, i32
  }
  func.func @transform_6(%arg0: i32) -> i32 {
    %c0_i32 = arith.constant 0 : i32
    %c0_i32_0 = arith.constant 0 : i32
    return %c0_i32 : i32
  }
  func.func @transform_7(%arg0: i32) -> i32 {
    %c0_i32 = arith.constant 0 : i32
    %c0_i32_0 = arith.constant 0 : i32
    return %c0_i32 : i32
  }
}

</mosaic_0001>

<sc_bundles>
// kernel: _vq_fused.4.cloned.1.call-start
scs
__scs_entry_jumppad:
0x0: {  	(pc) =	sbr.rel $0x88, $3  }
0x1: {  	(tag) =	ssettag $0x0;
	lr =	simm.s32 $0x1  }
0x2: {  	[smem:$0x3F9F] =	sst lr;
	_ =	strace $0xD0000000  }
0x3: {  	_ = 	snop  }
0x4: {  	_ = 	snop  }
0x5: {  	_ = 	snop  }
0x6: {  	_ = 	snop  }
0x7: {  	_ = 	snop  }
__scs_overlays_trampoline_lowered:
0x8: {  	[smem:$0x3FAE] =	sst s0  }
0x9: {  	[smem:$0x3FAF] =	sst s1  }
0xa: {  	[smem:$0x3FB0] =	sst s2  }
0xb: {  	[smem:$0x3FB1] =	sst s3  }
0xc: {  	[smem:$0x3FB2] =	sst s4  }
0xd: {  	[smem:$0x3FB3] =	sst s5  }
0xe: {  	[smem:$0x3FB4] =	sst s6  }
0xf: {  	[smem:$0x3FB5] =	sst s7  }
0x10: {  	[smem:$0x3FB6] =	sst s8  }
0x11: {  	[smem:$0x3FB7] =	sst s9;
	s0 =	simm.s32 @!p0 $0x0  }
0x12: {  	s1 =	sld [smem:$0x3F9D];
	s0 =	simm.s32 @p0 $0x1  }
0x13: {  	[smem:$0x3FB8] =	sst s0;
	s0 =	simm.s32 @!p1 $0x0  }
0x14: {  	s2 =	sld [smem:$0x3F9C];
	s0 =	simm.s32 @p1 $0x1  }
0x15: {  	[smem:$0x3FB9] =	sst s0;
	s0 =	simm.s32 @!p2 $0x0  }
0x16: {  	s3 =	sld [smem:$0x3FDB];
	s0 =	simm.s32 @p2 $0x1  }
0x17: {  	s4 =	simm.s32 $0x1BF5;
	[smem:$0x3FBB] =	sst s0  }
0x18: {  	s0 =	sld [smem:$0x3F9E];
	_ =	swait.ge [sflag:s4], $0x0  }
0x19: {  	s7 =	sld [smem:$0x3F9F]  }
0x1a: {  	s8 =	sadd.s32 $0xFFFFE003, lr  }
0x1b: {  	s9 =	sadd.s32 $0xFFFFFEF7, lr;
	s5 =	simm.s32 $0xFFFFFFFF;
	p2 =	slt.u32 s8, $0xFFFFF086  }
0x1c: {  	p1 =	slt.u32 s9, $0xF7A;
	s5 =	simm.s32 @!p2 $0x0  }
0x1d: {  	s5 =	simm.s32 @p1 $0x1;
	p0 =	seq.s32 s7, s2  }
0x1e: {  	s7 =	smul.u32 @!p0 $0xF7A, s2;
	p2 =	seq.s32 @!p0 s5, $0x0  }
0x1f: {  	s9 =	smul.u32 $0xF7A, s1;
	s8 =	simm.s32 @!p0 $0x1BF5;
	p2 =	por !p2, p0  }
0x20: {  	[sflag:s8] =	ssyncset.s32 @!p0 $0xFFFFF086;
	s6 =	sadd.s32 @!p0 s3, s7;
	s7 =	simm.s32 @!p0 $0x108  }
0x21: {  	s3 =	sadd.s32 s3, s9;
	s6 =	sadd.s32 @!p0 $0x88, s6;
	s7 =	simm.s32 @p2 $0x1082  }
0x22: {  	[simem:s7], [sflag:s8] =	dma.local @!p0 [hbm:s6], $0xF7A  }
0x23: {  	s9 =	sor.u32 $0xD0000000, s2;
	s6 =	simm.s32 $0x108;
	_ =	swait.ge @!p0 [sflag:s8], $0x0  }
0x24: {  	s3 =	sadd.s32 $0x88, s3;
	s6 =	simm.s32 @!p1 $0x1082;
	[sflag:s4] =	ssyncset.s32 $0xFFFFF086  }
0x25: {  	[simem:s6], [sflag:s4] =	dma.local [hbm:s3], $0xF7A  }
0x26: {  	[smem:$0x3F9F] =	sst s1;
	(tag) =	ssettag s2;
	_ =	strace s9  }
0x27: {  	s1 =	sld [smem:$0x3FAF]  }
0x28: {  	s2 =	sld [smem:$0x3FB0]  }
0x29: {  	s4 =	sld [smem:$0x3FB2]  }
0x2a: {  	p0 =	seq.s32 s5, $0x0;
	s5 =	sld [smem:$0x3FB3]  }
0x2b: {  	s6 =	sld [smem:$0x3FB4]  }
0x2c: {  	s7 =	sld [smem:$0x3FB5]  }
0x2d: {  	s3 =	simm.s32 $0x108;
	s8 =	sld [smem:$0x3FB6]  }
0x2e: {  	s3 =	simm.s32 @!p0 $0x1082;
	s9 =	sld [smem:$0x3FB7]  }
0x2f: {  	lr =	sadd.s32 s0, s3;
	s0 =	sld [smem:$0x3FAE]  }
0x30: {  	s3 =	sld [smem:$0x3FB1]  }
0x31: {  	[smem:$0x3FBA] =	sst s10  }
0x32: {  	s10 =	sld [smem:$0x3FB8];
	_ =	sdelay $0x3  }
0x33: {  	p0 =	seq.s32 s10, $0x1;
	s10 =	sld [smem:$0x3FBA];
	_ =	sdelay $0x3  }
0x34: {  	[smem:$0x3FBA] =	sst s10  }
0x35: {  	s10 =	sld [smem:$0x3FB9];
	_ =	sdelay $0x3  }
0x36: {  	p1 =	seq.s32 s10, $0x1;
	s10 =	sld [smem:$0x3FBA];
	_ =	sdelay $0x3  }
0x37: {  	[smem:$0x3FBA] =	sst s10  }
0x38: {  	s10 =	sld [smem:$0x3FBB]  }
0x39: {  	_ = 	snop;
	(pc) =	sbr.ind lr, $3  }
0x3a: {  	_ = 	snop  }
0x3b: {  	_ = 	snop  }
0x3c: {  	p2 =	seq.s32 s10, $0x1;
	s10 =	sld [smem:$0x3FBA]  }
0x3d: {  	_ =	shalt  }
0x3e: {  	_ =	shalt  }
0x3f: {  	_ =	shalt  }
0x40: {  	_ =	shalt  }
0x41: {  	_ =	shalt  }
0x42: {  	_ =	shalt  }
0x43: {  	_ =	shalt  }
0x44: {  	_ =	shalt  }
0x45: {  	_ =	shalt  }
0x46: {  	_ =	shalt  }
0x47: {  	_ =	shalt  }
0x48: {  	_ =	shalt  }
0x49: {  	_ =	shalt  }
0x4a: {  	_ =	shalt  }
0x4b: {  	_ =	shalt  }
0x4c: {  	_ =	shalt  }
0x4d: {  	_ =	shalt  }
0x4e: {  	_ =	shalt  }
0x4f: {  	_ =	shalt  }
0x50: {  	_ =	shalt  }
0x51: {  	_ =	shalt  }
0x52: {  	_ =	shalt  }
0x53: {  	_ =	shalt  }
0x54: {  	_ =	shalt  }
0x55: {  	_ =	shalt  }
0x56: {  	_ =	shalt  }
0x57: {  	_ =	shalt  }
0x58: {  	_ =	shalt  }
0x59: {  	_ =	shalt  }
0x5a: {  	_ =	shalt  }
0x5b: {  	_ =	shalt  }
0x5c: {  	_ =	shalt  }
0x5d: {  	_ =	shalt  }
0x5e: {  	_ =	shalt  }
0x5f: {  	_ =	shalt  }
0x60: {  	_ =	shalt  }
0x61: {  	_ =	shalt  }
0x62: {  	_ =	shalt  }
0x63: {  	_ =	shalt  }
0x64: {  	_ =	shalt  }
0x65: {  	_ =	shalt  }
0x66: {  	_ =	shalt  }
0x67: {  	_ =	shalt  }
0x68: {  	_ =	shalt  }
0x69: {  	_ =	shalt  }
0x6a: {  	_ =	shalt  }
0x6b: {  	_ =	shalt  }
0x6c: {  	_ =	shalt  }
0x6d: {  	_ =	shalt  }
0x6e: {  	_ =	shalt  }
0x6f: {  	_ =	shalt  }
0x70: {  	_ =	shalt  }
0x71: {  	_ =	shalt  }
0x72: {  	_ =	shalt  }
0x73: {  	_ =	shalt  }
0x74: {  	_ =	shalt  }
0x75: {  	_ =	shalt  }
0x76: {  	_ =	shalt  }
0x77: {  	_ =	shalt  }
0x78: {  	_ =	shalt  }
0x79: {  	_ =	shalt  }
0x7a: {  	_ =	shalt  }
0x7b: {  	_ =	shalt  }
0x7c: {  	_ =	shalt  }
0x7d: {  	_ =	shalt  }
0x7e: {  	_ =	shalt  }
0x7f: {  	_ =	shalt  }
0x80: {  	_ =	shalt  }
0x81: {  	_ =	shalt  }
0x82: {  	_ =	shalt  }
0x83: {  	_ =	shalt  }
0x84: {  	_ =	shalt  }
0x85: {  	_ =	shalt  }
0x86: {  	_ =	shalt  }
0x87: {  	_ =	shalt  }
.Lfunc_end0:
.L_simem_size_0:
called_computation_lowered:
.L_overlay_start_0:
0x88: {  	s2 =	sld [smem:$0x3FD9]  }
0x89: {  	s3 =	sld [smem:$0x3FFE];
	_ =	sdelay $0x1  }
0x8a: {  	s1 =	srdreg.scid  }
0x8b: {  	s0 =	sand.u32 $0x1, s1  }
0x8c: {  	s14 =	sshll.u32 s0, $0xA;
	s2 =	sadd.s32 s3, s2  }
0x8d: {  	s2 =	sadd.s32 s2, s14  }
0x8e: {  	[smem:$0x3FC6] =	sst s2  }
0x8f: {  	_ = 	snop  }
0x90: {  	s2 =	sld [smem:$0x3FD0];
	_ =	sdelay $0x2  }
0x91: {  	s15 =	simm.s32 $0xA;
	s4 =	simm.s32 $0x10  }
0x92: {  	[smem:s4], [sflag:s15] =	dma.local [hbm:s2], $0x1  }
0x93: {  	_ =	swait.eq [sflag:s15], $0x1  }
0x94: {  	[sflag:s15] =	ssyncset.done $0x0  }
0x95: {  	[sflag:s15] =	ssyncadd.s32 $0xFFFFFFFF  }
0x96: {  	s16 =	sld [smem:$0x10];
	(tm) =	ssettm $0x1  }
0x97: {  	s17 =	sld [smem:$0x3FFB];
	_ =	sdelay $0x3  }
0x98: {  	_ =	strace s17  }
0x99: {  	s3 =	sld [smem:$0x3FFC];
	_ =	sdelay $0x3  }
0x9a: {  	_ =	strace s3  }
0x9b: {  	s3 =	sld [smem:$0x3FFD];
	_ =	sdelay $0x3  }
0x9c: {  	_ =	strace s3  }
0x9d: {  	_ =	strace $0x8FFFFFFF  }
0x9e: {  	s18 =	sld [smem:$0x3FDB];
	_ =	sdelay $0x1  }
0x9f: {  	s19 =	simm.s32 $_scs_section_size  }
0xa0: {  	s5 =	simm.s32 $_size__tile_overlayer_lowered;
	s6 =	simm.s32 $_tile_overlayer_lowered  }
0xa1: {  	s22 =	simm.s32 $0x1BFF;
	s21 =	sshll.u32 s6, $0x1;
	s3 =	sadd.s32 s19, s18  }
0xa2: {  	s7 =	simm.s32 $0x0;
	s20 =	sshll.u32 s5, $0x1;
	s5 =	sadd.s32 s21, s3  }
0xa3: {  	[timem:s7], [sflag:s22] =	dma.local [hbm:s5], s20  }
0xa4: {  	_ =	swait.ge [sflag:s22], s20  }
0xa5: {  	s4 =	ssub.s32 $0x0, s20;
	[sflag:s22] =	ssyncset.done $0x0  }
0xa6: {  	[sflag:s22] =	ssyncadd.s32 s4;
	_ =	sdelay $0x1  }
0xa7: {  	s23 =	simm.s32 $0x1B8B  }
0xa8: {  	_ =	swait.ge [sflag:s23], $0x1  }
0xa9: {  	[sflag:s23] =	ssyncset.done $0x0  }
0xaa: {  	s25 =	simm.s32 $0x1B8E;
	s24 =	sld [smem:$0x3FFE];
	[sflag:s23] =	ssyncadd.s32 $0xFFFFFFFF  }
0xab: {  	s26 =	simm.s32 $execute0_lowered;
	[smem:$0x3FD2] =	sst s25  }
0xac: {  	s5 =	sshll.u32 s26, $0x1;
	_ =	strace $0x80000046;
	[dreg:$0x1] =	wrdreg $0xFFFFFFFF  }
0xad: {  	s28 =	simm.s32 $_size_execute0_lowered;
	s3 =	sadd.s32 s3, s5;
	[dreg:$0x0] =	wrdreg $0x0  }
0xae: {  	s5 =	sshll.u32 s28, $0x1;
	[dreg:$0x2] =	wrdreg s3  }
0xaf: {  	[dreg:$0x3] =	wrdreg s5  }
0xb0: {  	[dreg:$0x4] =	wrdreg $0xC0  }
0xb1: {  	_ =	task [dreg:s7], $0x5FFFF  }
0xb2: {  	[dreg:$0x1] =	wrdreg $0xFFFFFFFF  }
0xb3: {  	[dreg:$0x0] =	wrdreg $0x60  }
0xb4: {  	[dreg:$0x2] =	wrdreg s24  }
0xb5: {  	[dreg:$0x3] =	wrdreg s16  }
0xb6: {  	[dreg:$0x4] =	wrdreg $0x9  }
0xb7: {  	_ =	task.clear_ibuf [dreg:s7], $0x5FFFF;
	_ =	strace $0x90000046  }
0xb8: {  	s29 =	simm.s32 $0x9;
	_ =	strace $0x80000048  }
0xb9: {  	_ =	swait.ge [sflag:s29], $0x1  }
0xba: {  	[sflag:s29] =	ssyncadd.s32 $0xFFFFFFFF  }
0xbb: {  	_ =	strace $0x90000048  }
0xbc: {  	_ =	sfence  }
0xbd: {  	s30 =	sld [smem:$0x0];
	_ =	sdelay $0x2  }
0xbe: {  	s31 =	sshll.u32 s1, $0xD;
	s1 =	sshrl.u32 s1, $0x2  }
0xbf: {  	s3 =	sand.u32 $0x4000, s31;
	s1 =	sadd.s32 s1, s30  }
0xc0: {  	s0 =	sor.u32 s3, s0;
	s1 =	sshll.u32 s1, $0x11  }
0xc1: {  	s0 =	sor.u32 s1, s0  }
0xc2: {  	s0 =	sadd.s32 $0x8F2B, s0  }
0xc3: {  	[sflag:s0] =	ssyncadd.remote.s32 $0x1  }
0xc4: {  	_ =	sfence.sel $0xFFFF  }
0xc5: {  	[dreg:$0x0] =	wrdreg $0xFFFFFFFF;
	(pc) =	sbr.abs _section_cstart, $3  }
0xc6: {  	[dreg:$0x1] =	wrdreg $0xFFFFFFFF  }
0xc7: {  	_ =	task.clear_ibuf [dreg:s7], $0x2FFFF;
	_ =	strace $0x9FFFFFFF  }
0xc8: {  	(tm) =	ssettm $0x7FFFFFFF  }
0xc9: {  	_ =	shalt  }
tec
execute0_lowered:
.L_overlay_start_1:
0x0: {  	(tag) =	ssettag $0x1  }
0x1: {  	v0 =	vimm.s32 $0x10380;
	vm0 =	vcmask $0x300;
	v1 =	vimm.s32 $0x380  }
0x2: {  	vm1 =	vcmask $0x704;
	v0 =	vsel vm0, $0x0, v0;
	v1 =	vsel vm0, $0xFFFF0000, v1  }
0x3: {  	vm2 =	vcmask $0xB08;
	v0 =	vsel vm1, $0x80, v0;
	v1 =	vsel vm1, $0xFFFF0080, v1  }
0x4: {  	vm0 =	vcmask $0xF0C;
	v0 =	vsel vm2, $0x100, v0;
	v1 =	vsel vm2, $0xFFFF0100, v1  }
0x5: {  	vm1 =	vcmask $0x1310;
	v0 =	vsel vm0, $0x180, v0;
	v1 =	vsel vm0, $0xFFFF0180, v1  }
0x6: {  	vm2 =	vcmask $0x1714;
	v0 =	vsel vm1, $0x200, v0;
	v1 =	vsel vm1, $0xFFFF0200, v1  }
0x7: {  	vm0 =	vcmask $0x1B18;
	v0 =	vsel vm2, $0x280, v0;
	v1 =	vsel vm2, $0xFFFF0280, v1  }
0x8: {  	vm1 =	vcmask $0x1F1C;
	v0 =	vsel vm0, $0x300, v0;
	v1 =	vsel vm0, $0xFFFF0300, v1  }
0x9: {  	s3 =	rddreg [dreg:$0x0];
	vm2 =	vcmask $0x2320;
	v0 =	vsel vm1, $0x380, v0;
	v1 =	vsel vm1, $0xFFFF0380, v1  }
0xa: {  	s4 =	rddreg [dreg:$0x1];
	s5 =	srdreg.scid;
	vm0 =	vcmask $0x2724;
	v0 =	vsel vm2, $0x10000, v0;
	v1 =	vsel vm2, $0x0, v1  }
0xb: {  	s2 =	simm.s32 $0x0;
	s1 =	stileid.u32;
	s5 =	sand.u32 $0x1, s5;
	vm1 =	vcmask $0x2B28;
	v0 =	vsel vm0, $0x10080, v0;
	v1 =	vsel vm0, $0x80, v1  }
0xc: {  	[smem:$0x7FF] =	sst s2;
	s6 =	sshll.u32 s1, $0xA;
	s8 =	sshll.u32 s1, $0x14;
	vm2 =	vcmask $0x2F2C;
	v0 =	vsel vm1, $0x10100, v0;
	v1 =	vsel vm1, $0x100, v1  }
0xd: {  	s0 =	rddreg [dreg:$0x2];
	s7 =	sshll.u32 s5, $0x9;
	_ =	strace $0x80000047;
	vm0 =	vcmask $0x3330;
	v0 =	vsel vm2, $0x10180, v0;
	v1 =	vsel vm2, $0x180, v1  }
0xe: {  	s29 =	ssub.s32 $0x2, s5;
	s4 =	sadd.s32 s8, s4;
	s5 =	sshll.u32 s5, $0x13;
	v0 =	vsel vm0, $0x10200, v0;
	v3 =	vsel vm0, $0x200, v1;
	vm0 =	vcmask $0x3F20  }
0xf: {  	s8 =	simm.s32 $0x0;
	s6 =	sor.u32 s7, s6;
	s30 =	sshrl.u32 s29, $0x1  }
0x10: {  	s5 =	sadd.s32 s5, s4;
	s7 =	simm.s32 $0x200;
	s6 =	sshrl.u32 s6, $0x3;
	vm1 =	vcmask $0x3734;
	vm2 =	vcmask $0x3B38  }
0x11: {  	s31 =	ssub.s32 s29, s30;
	s5 =	sadd.s32 $0x2000, s5;
	s3 =	sadd.s32 s6, s3;
	v2 =	vsel vm1, $0x10280, v0;
	v0 =	vimm.f32 $0.0e+00;
	v3 =	vsel vm1, $0x280, v3  }
0x12: {  	s4 =	smax.u32 s31, $0x1;
	s6 =	simm.s32 $0x1;
	s3 =	sadd.s32 $0x40000, s3;
	v1 =	vsel vm2, $0x10300, v2;
	v2 =	vimm.f32 $1.000000000e+00;
	v3 =	vsel vm2, $0x300, v3  }
.LBB2_1:
0x13: {  	[tilespmem:s2], [sflag:$0x1] =	stream.linear.gather [hbm4b:s3+s2], $0x200, $0x38;
	[tilespmem:$0x10200] =	vst v63  }
0x14: {  	_ =	swait.ge [sflag:s6], $0x200  }
0x15: {  	s9 =	sand.u32 $0x70, s2;
	s10 =	sand.u32 $0xFC00, s2;
	[sflag:s6] =	ssyncset.done $0x0  }
0x16: {  	s9 =	sor.u32 s9, s10;
	[sflag:s6] =	ssyncadd.s32 $0xFFFFFE00  }
0x17: {  	s11 =	simm.s32 $0x0;
	s10 =	simm.s32 $0x10;
	[tilespmem:s9+$0x200] =	vst v0  }
.LBB2_2:
0x18: {  	p0 =	sne.s32 s10, $0x1FF0  }
.Ltmp0:
0x19: {  	_ = 	snop;
	(pc) =	sbr.rel @p0 .LBB2_2-.Ltmp0, $4  }
0x1a: {  	s11 =	sadd.s32 $0x80, s11  }
0x1b: {  	s9 =	sand.u32 $0x70, s10;
	s12 =	sand.u32 $0xFC00, s11  }
0x1c: {  	s9 =	sor.u32 s9, s12  }
0x1d: {  	s10 =	sadd.s32 $0x10, s10;
	[tilespmem:s9+$0x200] =	vst v0;
	s9 =	simm.s32 $0x0  }
0x1e: {  	s10 =	sand.u32 $0x70, s9;
	s11 =	sand.u32 $0xFC00, s9  }
0x1f: {  	s10 =	sor.u32 s10, s11  }
0x20: {  	s12 =	simm.s32 $0x0;
	s11 =	simm.s32 $0x10;
	[tilespmem:s10+$0x280] =	vst v0  }
.LBB2_4:
0x21: {  	p0 =	sne.s32 s11, $0x1FF0  }
.Ltmp1:
0x22: {  	_ = 	snop;
	(pc) =	sbr.rel @p0 .LBB2_4-.Ltmp1, $4  }
0x23: {  	s12 =	sadd.s32 $0x80, s12  }
0x24: {  	s13 =	sand.u32 $0x70, s11;
	s14 =	sand.u32 $0xFC00, s12  }
0x25: {  	s13 =	sor.u32 s13, s14  }
0x26: {  	s11 =	sadd.s32 $0x10, s11;
	[tilespmem:s13+$0x280] =	vst v0  }
0x27: {  	s11 =	simm.s32 $0x10;
	[tilespmem:s10+$0x300] =	vst v0  }
.LBB2_6:
0x28: {  	p0 =	sne.s32 s11, $0x1FF0  }
.Ltmp2:
0x29: {  	_ = 	snop;
	(pc) =	sbr.rel @p0 .LBB2_6-.Ltmp2, $4  }
0x2a: {  	s9 =	sadd.s32 $0x80, s9  }
0x2b: {  	s10 =	sand.u32 $0x70, s11;
	s12 =	sand.u32 $0xFC00, s9  }
0x2c: {  	s10 =	sor.u32 s10, s12  }
0x2d: {  	s11 =	sadd.s32 $0x10, s11;
	[tilespmem:s10+$0x300] =	vst v0;
	s10 =	simm.s32 $0x0  }
0x2e: {  	s9 =	sand.u32 $0x70, s10;
	s11 =	sand.u32 $0xFC00, s10  }
0x2f: {  	s9 =	sor.u32 s9, s11  }
0x30: {  	s12 =	simm.s32 $0x0;
	s11 =	simm.s32 $0x10;
	[tilespmem:s9+$0x380] =	vst v0  }
.LBB2_8:
0x31: {  	p0 =	sne.s32 s11, $0x1FF0  }
.Ltmp3:
0x32: {  	_ = 	snop;
	(pc) =	sbr.rel @p0 .LBB2_8-.Ltmp3, $4  }
0x33: {  	s12 =	sadd.s32 $0x80, s12  }
0x34: {  	s13 =	sand.u32 $0x70, s11;
	s14 =	sand.u32 $0xFC00, s12  }
0x35: {  	s13 =	sor.u32 s13, s14  }
0x36: {  	s11 =	sadd.s32 $0x10, s11;
	[tilespmem:s13+$0x380] =	vst v0  }
0x37: {  	s11 =	simm.s32 $0x10;
	[tilespmem:s9+$0x400] =	vst v0  }
.LBB2_10:
0x38: {  	p0 =	sne.s32 s11, $0x1FF0  }
.Ltmp4:
0x39: {  	_ = 	snop;
	(pc) =	sbr.rel @p0 .LBB2_10-.Ltmp4, $4  }
0x3a: {  	s10 =	sadd.s32 $0x80, s10  }
0x3b: {  	s9 =	sand.u32 $0x70, s11;
	s12 =	sand.u32 $0xFC00, s10  }
0x3c: {  	s9 =	sor.u32 s9, s12  }
0x3d: {  	s11 =	sadd.s32 $0x10, s11;
	[tilespmem:s9+$0x400] =	vst v0;
	s9 =	simm.s32 $0x0  }
0x3e: {  	s10 =	sand.u32 $0x70, s9;
	s11 =	sand.u32 $0xFC00, s9  }
0x3f: {  	s10 =	sor.u32 s10, s11  }
0x40: {  	s12 =	simm.s32 $0x0;
	s11 =	simm.s32 $0x10;
	[tilespmem:s10+$0x480] =	vst v0  }
.LBB2_12:
0x41: {  	p0 =	sne.s32 s11, $0x1FF0  }
.Ltmp5:
0x42: {  	_ = 	snop;
	(pc) =	sbr.rel @p0 .LBB2_12-.Ltmp5, $4  }
0x43: {  	s12 =	sadd.s32 $0x80, s12  }
0x44: {  	s13 =	sand.u32 $0x70, s11;
	s14 =	sand.u32 $0xFC00, s12  }
0x45: {  	s13 =	sor.u32 s13, s14  }
0x46: {  	s11 =	sadd.s32 $0x10, s11;
	[tilespmem:s13+$0x480] =	vst v0  }
0x47: {  	s11 =	simm.s32 $0x10;
	[tilespmem:s10+$0x500] =	vst v0  }
.LBB2_14:
0x48: {  	p0 =	sne.s32 s11, $0x1FF0  }
.Ltmp6:
0x49: {  	_ = 	snop;
	(pc) =	sbr.rel @p0 .LBB2_14-.Ltmp6, $4  }
0x4a: {  	s9 =	sadd.s32 $0x80, s9  }
0x4b: {  	s10 =	sand.u32 $0x70, s11;
	s12 =	sand.u32 $0xFC00, s9  }
0x4c: {  	s10 =	sor.u32 s10, s12  }
0x4d: {  	s11 =	sadd.s32 $0x10, s11;
	[tilespmem:s10+$0x500] =	vst v0;
	s10 =	simm.s32 $0x0  }
0x4e: {  	s9 =	sand.u32 $0x7, s10  }
0x4f: {  	s9 =	sshll.u32 s9, $0x4  }
0x50: {  	s9 =	sadd.s32 $0x0, s9  }
0x51: {  	s11 =	sor.u32 $0x380, s9  }
0x52: {  	s9 =	simm.s32 $0x10;
	[tilespmem:s11+$0x200] =	vst v0;
	s11 =	simm.s32 $0x1  }
.LBB2_16:
0x53: {  	s12 =	sand.u32 $0x7, s11;
	p0 =	sne.s32 s9, $0x1FF0;
	s9 =	sadd.s32 $0x10, s9  }
.Ltmp7:
0x54: {  	s10 =	sadd.s32 $0x80, s10;
	s12 =	sshll.u32 s12, $0x4;
	(pc) =	sbr.rel @p0 .LBB2_16-.Ltmp7, $4  }
0x55: {  	s12 =	sadd.s32 s12, s10  }
0x56: {  	s12 =	sor.u32 $0x380, s12  }
0x57: {  	[tilespmem:s12+$0x200] =	vst v0  }
0x58: {  	s11 =	sadd.s32 $0x1, s11  }
0x59: {  	s9 =	simm.s32 $0x0  }
0x5a: {  	v4 =	vld [tilespmem:s9+$0x0];
	_ =	sdelay $0x4  }
0x5b: {  	v5 =	vshll.u32 v4, $0x3  }
0x5c: {  	v4 =	vand.u32 $0x7F, v4;
	v5 =	vand.u32 $0xFFFFFC00, v5  }
0x5d: {  	v4 =	vor.u32 v4, v5  }
0x5e: {  	v5 =	vadd.s32 v1, v4;
	_ =	sdelay $0x4  }
0x5f: {  	s31 =	sadd.s32 $0xFFFFE000, s5;
	[tilespmem:v5+s7+$0x0] =	vst.idx.msk $0xff, v2  }
0x60: {  	v4 =	vadd.s32 v3, v4;
	[hbm4b:s31+s2] =	stream.linear.scatter [tilespmem:s7], [sflag:$0x1], $0x10000, $0x38;
	[tilespmem:$0x10200] =	vst v63  }
0x61: {  	_ =	swait.ge [sflag:s6], $0x10000  }
0x62: {  	[sflag:s6] =	ssyncset.done $0x0  }
0x63: {  	[sflag:s6] =	ssyncadd.s32 $0xFFFF0000  }
0x64: {  	[tilespmem:v5+s7+$0x0] =	vst.idx.msk $0xff, v0  }
0x65: {  	[tilespmem:v4+s7+$0x0] =	vst.idx.msk vm0, v2  }
0x66: {  	[hbm4b:s5+s2] =	stream.linear.scatter [tilespmem:s7], [sflag:$0x1], $0x10000, $0x38;
	[tilespmem:$0x10200] =	vst v63  }
0x67: {  	_ =	swait.ge [sflag:s6], $0x10000  }
0x68: {  	s10 =	simm.s32 $0x40;
	[sflag:s6] =	ssyncset.done $0x0  }
0x69: {  	s11 =	simm.s32 $0x80;
	s9 =	smov.u32 s5;
	[sflag:s6] =	ssyncadd.s32 $0xFFFF0000  }
.LBB2_18:
0x6a: {  	s12 =	sshra.s32 s10, $0x2  }
0x6b: {  	[tilespmem:v4+s7+$0x0] =	vst.idx.msk vm0, v0;
	s9 =	sadd.s32 $0x4000, s9;
	s10 =	smov.u32 s11;
	s13 =	sadd.s32 $0x40, s11  }
0x6c: {  	p0 =	sne.s32 s11, $0x7C0;
	v4 =	vld [tilespmem:s12+$0x0];
	_ =	sdelay $0x4  }
0x6d: {  	v5 =	vshll.u32 v4, $0x3  }
0x6e: {  	v4 =	vand.u32 $0x7F, v4;
	v5 =	vand.u32 $0xFFFFFC00, v5  }
0x6f: {  	v4 =	vor.u32 v4, v5  }
0x70: {  	v5 =	vadd.s32 v1, v4;
	_ =	sdelay $0x4  }
0x71: {  	s11 =	sadd.s32 $0xFFFFE000, s9;
	[tilespmem:v5+s7+$0x0] =	vst.idx.msk $0xff, v2  }
0x72: {  	v4 =	vadd.s32 v3, v4;
	[hbm4b:s11+s2] =	stream.linear.scatter [tilespmem:s7], [sflag:$0x1], $0x10000, $0x38;
	[tilespmem:$0x10200] =	vst v63  }
0x73: {  	_ =	swait.ge [sflag:s6], $0x10000  }
0x74: {  	[sflag:s6] =	ssyncset.done $0x0  }
0x75: {  	[sflag:s6] =	ssyncadd.s32 $0xFFFF0000  }
0x76: {  	[tilespmem:v5+s7+$0x0] =	vst.idx.msk $0xff, v0  }
.Ltmp8:
0x77: {  	[tilespmem:v4+s7+$0x0] =	vst.idx.msk vm0, v2;
	(pc) =	sbr.rel @p0 .LBB2_18-.Ltmp8, $4  }
0x78: {  	[hbm4b:s9+s2] =	stream.linear.scatter [tilespmem:s7], [sflag:$0x1], $0x10000, $0x38;
	[tilespmem:$0x10200] =	vst v63  }
0x79: {  	_ =	swait.ge [sflag:s6], $0x10000  }
0x7a: {  	[sflag:s6] =	ssyncset.done $0x0  }
0x7b: {  	s11 =	smov.u32 s13;
	[sflag:s6] =	ssyncadd.s32 $0xFFFF0000  }
0x7c: {  	_ =	sdelay $0x4  }
0x7d: {  	s10 =	sshra.s32 s10, $0x2;
	[tilespmem:v4+s7+$0x0] =	vst.idx.msk vm0, v0  }
0x7e: {  	v4 =	vld [tilespmem:s10+$0x0];
	_ =	sdelay $0x4  }
0x7f: {  	v5 =	vshll.u32 v4, $0x3  }
0x80: {  	v4 =	vand.u32 $0x7F, v4;
	v5 =	vand.u32 $0xFFFFFC00, v5  }
0x81: {  	v4 =	vor.u32 v4, v5  }
0x82: {  	v5 =	vadd.s32 v1, v4;
	_ =	sdelay $0x3  }
0x83: {  	s9 =	sadd.s32 $0x4000, s9  }
0x84: {  	s31 =	sadd.s32 $0xFFFFE000, s9;
	[tilespmem:v5+s7+$0x0] =	vst.idx.msk $0xff, v2  }
0x85: {  	v4 =	vadd.s32 v3, v4;
	[hbm4b:s31+s2] =	stream.linear.scatter [tilespmem:s7], [sflag:$0x1], $0x10000, $0x38;
	[tilespmem:$0x10200] =	vst v63  }
0x86: {  	_ =	swait.ge [sflag:s6], $0x10000  }
0x87: {  	[sflag:s6] =	ssyncset.done $0x0  }
0x88: {  	[sflag:s6] =	ssyncadd.s32 $0xFFFF0000  }
0x89: {  	s8 =	sadd.s32 $0x1, s8;
	[tilespmem:v5+s7+$0x0] =	vst.idx.msk $0xff, v0  }
0x8a: {  	p0 =	sne.s32 s8, s4;
	[tilespmem:v4+s7+$0x0] =	vst.idx.msk vm0, v2  }
0x8b: {  	[hbm4b:s9+s2] =	stream.linear.scatter [tilespmem:s7], [sflag:$0x1], $0x10000, $0x38;
	[tilespmem:$0x10200] =	vst v63  }
.Ltmp9:
0x8c: {  	_ = 	snop;
	(pc) =	sbr.rel @p0 .LBB2_1-.Ltmp9, $4  }
0x8d: {  	_ =	swait.ge [sflag:s6], $0x10000  }
0x8e: {  	[sflag:s6] =	ssyncset.done $0x0  }
0x8f: {  	[sflag:s6] =	ssyncadd.s32 $0xFFFF0000  }
0x90: {  	[tilespmem:v4+s7+$0x0] =	vst.idx.msk vm0, v0  }
0x91: {  	_ =	sfence.sel $0x180000  }
0x92: {  	[bflag:$0x0] =	sbarrier.arrive $0xFFFF  }
0x93: {  	p0 =	sne.s32 s1, $0x0;
	_ =	strace $0x90000047  }
0x94: {  	s0 =	sadd.s32 @!p0 $0x100000, s0;
	[bflag:$0x2] =	sbarrier.arrive $0xFFFF  }
0x95: {  	[sflag:s0] =	ssyncadd.tile.s32 @!p0 $0x1;
	_ =	shalt  }
.Lfunc_end2:
_tile_overlayer_lowered:
.L_overlay_start_2:
0x96: {  	(tag) =	ssettag $0x2  }
0x97: {  	s0 =	rddreg [dreg:$0x0];
	s2 =	stileid.u32  }
0x98: {  	s1 =	rddreg [dreg:$0x1];
	p0 =	sne.s32 s2, $0x0  }
0x99: {  	s3 =	rddreg [dreg:$0x2];
	[bflag:$0x3] =	sbarrier.arrive $0xFFFF;
	s2 =	simm.s32 @!p0 $0x1C01  }
0x9a: {  	[timem:s3], [sflag:s2] =	dma.local @!p0 [hbm:s0], s1  }
0x9b: {  	s0 =	simm.s32 @!p0 $0x1  }
0x9c: {  	_ =	swait.ge @!p0 [sflag:s0], s1  }
0x9d: {  	s1 =	ssub.s32 @!p0 $0x0, s1;
	[sflag:s0] =	ssyncset.done @!p0 $0x0  }
0x9e: {  	[sflag:s0] =	ssyncadd.s32 @!p0 s1  }
0x9f: {  	[bflag:$0x3] =	sbarrier.arrive $0xFFFF  }
0xa0: {  	_ =	shalt  }

</sc_bundles>
